<compile_context>
chip_gen: v7x
topology: tpu7x:2x2x1
jax: 0.10.2.dev20260603
libtpu: 0.0.44.dev20260713+nightly
codegen_flags: <defaults>
</compile_context>

<pallas_src>
import functools

import jax
import jax.numpy as jnp
from jax import lax
from jax.experimental import pallas as pl
from jax.experimental.pallas import tpu as pltpu
from jax.experimental.pallas import tpu_sc as plsc

_EMB = 32
_NE = 8192
_NTOK = 8192
_TB = 256
_NBLK = _NTOK // _TB
_NW = 32
_BPW = _NTOK // _NW


def _tc1_body(x_ref, w_ref, xsq_ref, wsq_ref, idx_ref, cnt_ref, dw_ref,
              loss_ref, ppl_ref):
    i = pl.program_id(0)
    x = x_ref[...]
    w = w_ref[...]
    xw = jax.lax.dot_general(x, w, (((1,), (0,)), ((), ())),
                             preferred_element_type=jnp.float32)
    d = (xsq_ref[...] - 2.0 * xw) + wsq_ref[...]

    lane = jax.lax.broadcasted_iota(jnp.int32, (_TB, _NE), 1)
    big = jnp.int32(_NE)
    _C = _NE // 4
    mvs, mis = [], []
    for c in range(4):
        dc = d[:, c * _C:(c + 1) * _C]
        lc = lane[:, c * _C:(c + 1) * _C]
        mv = jnp.min(dc, axis=1, keepdims=True)
        mi = jnp.min(jnp.where(dc == mv, lc, big), axis=1, keepdims=True)
        mvs.append(mv)
        mis.append(mi)
    mcur = mvs[0].astype(jnp.bfloat16).astype(jnp.float32)
    icur = mis[0]
    vsel = mvs[0]
    for c in range(1, 4):
        take = mvs[c] < mcur
        icur = jnp.where(take, mis[c], icur)
        vsel = jnp.where(take, mvs[c], vsel)
        mcur = jnp.where(take, mvs[c], mcur).astype(jnp.bfloat16).astype(jnp.float32)
    idx_ref[...] = icur.astype(jnp.int32)

    onehot = (lane == icur).astype(jnp.bfloat16)
    dwi = jax.lax.dot_general(x.astype(jnp.bfloat16), onehot,
                              (((0,), (0,)), ((), ())),
                              preferred_element_type=jnp.float32)
    cnti = jax.lax.dot_general(jnp.ones((1, _TB), jnp.bfloat16), onehot,
                               (((1,), (0,)), ((), ())),
                               preferred_element_type=jnp.float32)

    @pl.when(i == 0)
    def _init():
        cnt_ref[...] = jnp.zeros_like(cnt_ref)
        dw_ref[...] = jnp.zeros_like(dw_ref)
        loss_ref[...] = jnp.zeros_like(loss_ref)

    cnt_ref[...] += cnti
    dw_ref[...] += dwi
    loss_ref[...] += jnp.full((1, 1), 0.0, jnp.float32) + jnp.sum(vsel)

    @pl.when(i == _NBLK - 1)
    def _fin():
        c = cnt_ref[...]
        p = c / jnp.float32(_NTOK)
        ent = jnp.sum(p * jnp.log(p + 1e-10))
        ppl_ref[...] = jnp.exp(-ent).reshape(1, 1)
        loss_ref[...] = loss_ref[...] / jnp.float32(_NTOK * _EMB)


def _sc_gather(wt, idx2):
    mesh = plsc.VectorSubcoreMesh(core_axis_name="c", subcore_axis_name="s")

    @functools.partial(
        pl.kernel, mesh=mesh,
        out_type=(jax.ShapeDtypeStruct((_NTOK, 128), jnp.float32),),
        scratch_types=[pltpu.VMEM((2, 128), jnp.int32),
                       pltpu.VMEM((_BPW, 128), jnp.float32),
                       pltpu.SemaphoreType.DMA],
    )
    def kg(wt_hbm, idx2_hbm, qst_hbm, idx_v, q_v, sem):
        cid = lax.axis_index("c")
        sid = lax.axis_index("s")
        wid = sid * 2 + cid
        base = wid * _BPW
        pltpu.sync_copy(idx2_hbm.at[pl.ds(wid * 2, 2)], idx_v)
        for j in range(2):
            pltpu.async_copy(wt_hbm.at[idx_v.at[j]],
                             q_v.at[pl.ds(j * 128, 128)], sem).wait()
        pltpu.sync_copy(q_v, qst_hbm.at[pl.ds(base, _BPW)])

    qst_pad, = kg(wt, idx2)
    return qst_pad


def kernel(input, w):
    x = input.reshape(_NTOK, _EMB)
    xsq = jnp.sum(jnp.power(x, 2), axis=1, keepdims=True)
    wsq = jnp.sum(jnp.power(w, 2), axis=0, keepdims=True)
    wt = jnp.pad(w.T, ((0, 0), (0, 128 - _EMB)))

    idx, cnt, dw, loss, ppl = pl.pallas_call(
        _tc1_body,
        grid=(_NBLK,),
        in_specs=[
            pl.BlockSpec((_TB, _EMB), lambda i: (i, 0)),
            pl.BlockSpec((_EMB, _NE), lambda i: (0, 0)),
            pl.BlockSpec((_TB, 1), lambda i: (i, 0)),
            pl.BlockSpec((1, _NE), lambda i: (0, 0)),
        ],
        out_specs=[
            pl.BlockSpec((_TB, 1), lambda i: (i, 0)),
            pl.BlockSpec((1, _NE), lambda i: (0, 0)),
            pl.BlockSpec((_EMB, _NE), lambda i: (0, 0)),
            pl.BlockSpec((1, 1), lambda i: (0, 0)),
            pl.BlockSpec((1, 1), lambda i: (0, 0)),
        ],
        out_shape=(
            jax.ShapeDtypeStruct((_NTOK, 1), jnp.int32),
            jax.ShapeDtypeStruct((1, _NE), jnp.float32),
            jax.ShapeDtypeStruct((_EMB, _NE), jnp.float32),
            jax.ShapeDtypeStruct((1, 1), jnp.float32),
            jax.ShapeDtypeStruct((1, 1), jnp.float32),
        ),
    )(x, w, xsq, wsq)

    idx_flat = idx.reshape(_NTOK)
    idx2 = idx_flat.reshape(_NTOK // 128, 128)
    qst_pad = _sc_gather(wt, idx2)
    qst = qst_pad[:, :_EMB]

    return (loss.reshape(()), qst.reshape(input.shape), cnt,
            dw.reshape(1, _EMB, _NE), idx_flat.reshape(input.shape[:-1]),
            ppl.reshape(()))

# --- scband reference (transcript-rebuilt; emitter-appended) ---
"""Pipeline reference for scband-quantize-56453050138684 (READ-ONLY COPY).

The authoritative reference and input builder live on the scoring server;
editing this copy changes nothing except your own understanding.
"""

import jax, jax.numpy as jnp
import numpy as np

EMBEDDING_DIM = 32
NUM_EMBEDDINGS = 8192
N_TOKENS = 8192


def setup_inputs(seed: int = 0) -> dict:
    key = jax.random.key(seed)
    k1, k2 = jax.random.split(key)
    inp = jax.random.normal(k1, (N_TOKENS, EMBEDDING_DIM), dtype=jnp.float32)
    # codebook buffer _w: [embedding_dim, num_embeddings], init randn as in torch module
    w = jax.random.normal(k2, (EMBEDDING_DIM, NUM_EMBEDDINGS), dtype=jnp.float32)
    return {"input": inp, "w": w}


def reference(input, w):
    # weights_loss is asserted to be None in the torch module; omitted here.
    flat_input = input.reshape(-1, EMBEDDING_DIM)
    distances = (jnp.sum(jnp.power(flat_input, 2), axis=1, keepdims=True)
                 - 2.0 * jnp.matmul(flat_input, w)
                 + jnp.sum(jnp.power(w, 2), axis=0, keepdims=True))
    flat_encoding_1nn_indices = jnp.argmax(-distances, axis=1)
    encoding_1nn_indices = flat_encoding_1nn_indices.reshape(input.shape[:-1])
    # quantize: embedding lookup into w^T  [num_embeddings, embedding_dim]
    quantize = jnp.take(w.T, encoding_1nn_indices, axis=0)
    # code_loss = mse(quantize.detach(), flat_input)
    loss = jnp.mean(jnp.square(jax.lax.stop_gradient(quantize) - flat_input))
    # straight-through estimator
    quantize_st = input + jax.lax.stop_gradient(quantize - input)
    flat_encodings = jax.nn.one_hot(flat_encoding_1nn_indices, NUM_EMBEDDINGS, dtype=flat_input.dtype)
    avg_probs = flat_encodings.mean(0)
    perplexity = jnp.exp(-jnp.sum(avg_probs * jnp.log(avg_probs + 1e-10)))
    dema_cluster_size = flat_encodings.sum(0).reshape(1, NUM_EMBEDDINGS)
    dw = jnp.matmul(flat_input.T, flat_encodings).reshape(1, EMBEDDING_DIM, NUM_EMBEDDINGS)
    return (loss, quantize_st, dema_cluster_size, dw, encoding_1nn_indices, perplexity)

if __name__ == "__main__":
    import jax
    _d = setup_inputs()
    print(jax.jit(kernel)(*tuple(_d.values())))

</pallas_src>

<mosaic_0001>
#map = affine_map<(d0, d1) -> (0, 0)>
module attributes {stable_mosaic.version = 14 : i64} {
  func.func @kg(%arg0: i32, %arg1: i32, %arg2: memref<8192x128xf32, #tpu.memory_space<hbm>>, %arg3: memref<64x128xi32, #tpu.memory_space<hbm>>, %arg4: memref<8192x128xf32, #tpu.memory_space<hbm>>, %arg5: memref<2x128xi32, #tpu.memory_space<vmem>>, %arg6: memref<256x128xf32, #tpu.memory_space<vmem>>, %arg7: memref<!tpu.dma_semaphore, #tpu.memory_space<semaphore_mem>>) attributes {dimension_semantics = [#tpu.dimension_semantics<core_parallel>, #tpu.dimension_semantics<subcore_parallel>], iteration_bounds = array<i64: 2, 16>, scalar_prefetch = 0 : i64, scratch_operands = 3 : i64, tpu.core_type = #tpu.core_type<sc_vector_subcore>, window_params = [{transform_indices = #map}, {transform_indices = #map}, {transform_indices = #map}]} {
    %mul3A = arith.constant 2 : i32
    %mul3A_0 = arith.muli %arg1, %mul3A : i32
    %add3A = arith.addi %mul3A_0, %arg0 : i32
    %mul3A_1 = arith.constant 256 : i32
    %mul3A_2 = arith.muli %add3A, %mul3A_1 : i32
    %mul3A_3 = arith.constant 2 : i32
    %mul3A_4 = arith.muli %add3A, %mul3A_3 : i32
    "tpu.region"() ({
      %run_scoped3A = tpu.sem_alloc : memref<!tpu.dma_semaphore, #tpu.memory_space<semaphore_mem>>
      %dma_start3A_43 = arith.constant 0 : i32
      %dma_start3A_44 = tpu.memref_slice %arg3[%mul3A_4, %dma_start3A_43] : memref<64x128xi32, #tpu.memory_space<hbm>> -> memref<2x128xi32, #tpu.memory_space<hbm>>
      %dma_start3A_45 = arith.constant 0 : i32
      %dma_start3A_46 = tpu.memref_slice %arg3[%mul3A_4, %dma_start3A_45] : memref<64x128xi32, #tpu.memory_space<hbm>> -> memref<2x128xi32, #tpu.memory_space<hbm>>
      tpu.enqueue_dma source(%dma_start3A_46 : memref<2x128xi32, #tpu.memory_space<hbm>>) target(%arg5 : memref<2x128xi32, #tpu.memory_space<vmem>>) target_semaphore(%run_scoped3A : memref<!tpu.dma_semaphore, #tpu.memory_space<semaphore_mem>>)
      %dma_wait3A_47 = arith.constant 0 : i32
      %dma_wait3A_48 = tpu.memref_slice %arg3[%mul3A_4, %dma_wait3A_47] : memref<64x128xi32, #tpu.memory_space<hbm>> -> memref<2x128xi32, #tpu.memory_space<hbm>>
      %dma_wait3A_49 = arith.constant 0 : i32
      %dma_wait3A_50 = tpu.memref_slice %arg3[%mul3A_4, %dma_wait3A_49] : memref<64x128xi32, #tpu.memory_space<hbm>> -> memref<2x128xi32, #tpu.memory_space<hbm>>
      tpu.wait_dma2 semaphore(%run_scoped3A : memref<!tpu.dma_semaphore, #tpu.memory_space<semaphore_mem>>) src(%dma_wait3A_50 : memref<2x128xi32, #tpu.memory_space<hbm>>) dst(%arg5 : memref<2x128xi32, #tpu.memory_space<vmem>>)
      tpu.yield
    }) : () -> ()
    %dma_start3A = arith.constant 0 : i32
    %dma_start3A_5 = arith.constant 0 : i32
    %dma_start3A_6 = arith.constant 0 : i32
    %dma_start3A_7 = tpu.memref_slice %arg6[%dma_start3A_5, %dma_start3A_6] : memref<256x128xf32, #tpu.memory_space<vmem>> -> memref<128x128xf32, #tpu.memory_space<vmem>>
    %dma_start3A_8 = arith.constant 0 : i32
    %dma_start3A_9 = tpu.memref_slice %arg5[%dma_start3A, %dma_start3A_8] : memref<2x128xi32, #tpu.memory_space<vmem>> -> memref<1x128xi32, #tpu.memory_space<vmem>>
    %dma_start3A_10 = tpu.memref_squeeze %dma_start3A_9 : memref<1x128xi32, #tpu.memory_space<vmem>> -> memref<128xi32, #tpu.memory_space<vmem>>
    %dma_start3A_11 = arith.constant 0 : i32
    %dma_start3A_12 = arith.constant 0 : i32
    %dma_start3A_13 = tpu.memref_slice %arg2[%dma_start3A_11, %dma_start3A_12] : memref<8192x128xf32, #tpu.memory_space<hbm>> -> memref<8192x128xf32, #tpu.memory_space<hbm>>
    tpu.enqueue_indirect_dma source(%dma_start3A_13 : memref<8192x128xf32, #tpu.memory_space<hbm>>) target(%dma_start3A_7 : memref<128x128xf32, #tpu.memory_space<vmem>>) offsets(%dma_start3A_10 : memref<128xi32, #tpu.memory_space<vmem>>) semaphore(%arg7 : memref<!tpu.dma_semaphore, #tpu.memory_space<semaphore_mem>>)
    %dma_wait3A = arith.constant 0 : i32
    %dma_wait3A_14 = arith.constant 0 : i32
    %dma_wait3A_15 = arith.constant 0 : i32
    %dma_wait3A_16 = tpu.memref_slice %arg6[%dma_wait3A_14, %dma_wait3A_15] : memref<256x128xf32, #tpu.memory_space<vmem>> -> memref<128x128xf32, #tpu.memory_space<vmem>>
    %dma_wait3A_17 = arith.constant 0 : i32
    %dma_wait3A_18 = tpu.memref_slice %arg5[%dma_wait3A, %dma_wait3A_17] : memref<2x128xi32, #tpu.memory_space<vmem>> -> memref<1x128xi32, #tpu.memory_space<vmem>>
    %dma_wait3A_19 = tpu.memref_squeeze %dma_wait3A_18 : memref<1x128xi32, #tpu.memory_space<vmem>> -> memref<128xi32, #tpu.memory_space<vmem>>
    %dma_wait3A_20 = arith.constant 0 : i32
    %dma_wait3A_21 = arith.constant 0 : i32
    %dma_wait3A_22 = tpu.memref_slice %arg2[%dma_wait3A_20, %dma_wait3A_21] : memref<8192x128xf32, #tpu.memory_space<hbm>> -> memref<8192x128xf32, #tpu.memory_space<hbm>>
    tpu.wait_indirect_dma semaphore(%arg7 : memref<!tpu.dma_semaphore, #tpu.memory_space<semaphore_mem>>) src(%dma_wait3A_22 : memref<8192x128xf32, #tpu.memory_space<hbm>>) dst(%dma_wait3A_16 : memref<128x128xf32, #tpu.memory_space<vmem>>)
    %dma_start3A_23 = arith.constant 1 : i32
    %dma_start3A_24 = arith.constant 128 : i32
    %dma_start3A_25 = arith.constant 0 : i32
    %dma_start3A_26 = tpu.memref_slice %arg6[%dma_start3A_24, %dma_start3A_25] : memref<256x128xf32, #tpu.memory_space<vmem>> -> memref<128x128xf32, #tpu.memory_space<vmem>>
    %dma_start3A_27 = arith.constant 0 : i32
    %dma_start3A_28 = tpu.memref_slice %arg5[%dma_start3A_23, %dma_start3A_27] : memref<2x128xi32, #tpu.memory_space<vmem>> -> memref<1x128xi32, #tpu.memory_space<vmem>>
    %dma_start3A_29 = tpu.memref_squeeze %dma_start3A_28 : memref<1x128xi32, #tpu.memory_space<vmem>> -> memref<128xi32, #tpu.memory_space<vmem>>
    %dma_start3A_30 = arith.constant 0 : i32
    %dma_start3A_31 = arith.constant 0 : i32
    %dma_start3A_32 = tpu.memref_slice %arg2[%dma_start3A_30, %dma_start3A_31] : memref<8192x128xf32, #tpu.memory_space<hbm>> -> memref<8192x128xf32, #tpu.memory_space<hbm>>
    tpu.enqueue_indirect_dma source(%dma_start3A_32 : memref<8192x128xf32, #tpu.memory_space<hbm>>) target(%dma_start3A_26 : memref<128x128xf32, #tpu.memory_space<vmem>>) offsets(%dma_start3A_29 : memref<128xi32, #tpu.memory_space<vmem>>) semaphore(%arg7 : memref<!tpu.dma_semaphore, #tpu.memory_space<semaphore_mem>>)
    %dma_wait3A_33 = arith.constant 1 : i32
    %dma_wait3A_34 = arith.constant 128 : i32
    %dma_wait3A_35 = arith.constant 0 : i32
    %dma_wait3A_36 = tpu.memref_slice %arg6[%dma_wait3A_34, %dma_wait3A_35] : memref<256x128xf32, #tpu.memory_space<vmem>> -> memref<128x128xf32, #tpu.memory_space<vmem>>
    %dma_wait3A_37 = arith.constant 0 : i32
    %dma_wait3A_38 = tpu.memref_slice %arg5[%dma_wait3A_33, %dma_wait3A_37] : memref<2x128xi32, #tpu.memory_space<vmem>> -> memref<1x128xi32, #tpu.memory_space<vmem>>
    %dma_wait3A_39 = tpu.memref_squeeze %dma_wait3A_38 : memref<1x128xi32, #tpu.memory_space<vmem>> -> memref<128xi32, #tpu.memory_space<vmem>>
    %dma_wait3A_40 = arith.constant 0 : i32
    %dma_wait3A_41 = arith.constant 0 : i32
    %dma_wait3A_42 = tpu.memref_slice %arg2[%dma_wait3A_40, %dma_wait3A_41] : memref<8192x128xf32, #tpu.memory_space<hbm>> -> memref<8192x128xf32, #tpu.memory_space<hbm>>
    tpu.wait_indirect_dma semaphore(%arg7 : memref<!tpu.dma_semaphore, #tpu.memory_space<semaphore_mem>>) src(%dma_wait3A_42 : memref<8192x128xf32, #tpu.memory_space<hbm>>) dst(%dma_wait3A_36 : memref<128x128xf32, #tpu.memory_space<vmem>>)
    "tpu.region"() ({
      %run_scoped3A = tpu.sem_alloc : memref<!tpu.dma_semaphore, #tpu.memory_space<semaphore_mem>>
      %dma_start3A_43 = arith.constant 0 : i32
      %dma_start3A_44 = tpu.memref_slice %arg4[%mul3A_2, %dma_start3A_43] : memref<8192x128xf32, #tpu.memory_space<hbm>> -> memref<256x128xf32, #tpu.memory_space<hbm>>
      %dma_start3A_45 = arith.constant 0 : i32
      %dma_start3A_46 = tpu.memref_slice %arg4[%mul3A_2, %dma_start3A_45] : memref<8192x128xf32, #tpu.memory_space<hbm>> -> memref<256x128xf32, #tpu.memory_space<hbm>>
      tpu.enqueue_dma source(%arg6 : memref<256x128xf32, #tpu.memory_space<vmem>>) target(%dma_start3A_46 : memref<256x128xf32, #tpu.memory_space<hbm>>) target_semaphore(%run_scoped3A : memref<!tpu.dma_semaphore, #tpu.memory_space<semaphore_mem>>)
      %dma_wait3A_47 = arith.constant 0 : i32
      %dma_wait3A_48 = tpu.memref_slice %arg4[%mul3A_2, %dma_wait3A_47] : memref<8192x128xf32, #tpu.memory_space<hbm>> -> memref<256x128xf32, #tpu.memory_space<hbm>>
      %dma_wait3A_49 = arith.constant 0 : i32
      %dma_wait3A_50 = tpu.memref_slice %arg4[%mul3A_2, %dma_wait3A_49] : memref<8192x128xf32, #tpu.memory_space<hbm>> -> memref<256x128xf32, #tpu.memory_space<hbm>>
      tpu.wait_dma2 semaphore(%run_scoped3A : memref<!tpu.dma_semaphore, #tpu.memory_space<semaphore_mem>>) src(%arg6 : memref<256x128xf32, #tpu.memory_space<vmem>>) dst(%dma_wait3A_50 : memref<256x128xf32, #tpu.memory_space<hbm>>)
      tpu.yield
    }) : () -> ()
    return
  }
}

module attributes {stable_mosaic.version = 14 : i64} {
  func.func @_tc1_body(%arg0: i32, %arg1: memref<256x32xf32, #tpu.memory_space<vmem>>, %arg2: memref<32x8192xf32, #tpu.memory_space<vmem>>, %arg3: memref<256x1xf32, #tpu.memory_space<vmem>>, %arg4: memref<1x8192xf32, #tpu.memory_space<vmem>>, %arg5: memref<256x1xi32, #tpu.memory_space<vmem>>, %arg6: memref<1x8192xf32, #tpu.memory_space<vmem>>, %arg7: memref<32x8192xf32, #tpu.memory_space<vmem>>, %arg8: memref<1x1xf32, #tpu.memory_space<vmem>>, %arg9: memref<1x1xf32, #tpu.memory_space<vmem>>) attributes {dimension_semantics = [#tpu.dimension_semantics<arbitrary>], iteration_bounds = array<i64: 32>, scalar_prefetch = 0 : i64, scratch_operands = 0 : i64, tpu.core_type = #tpu.core_type<tc>, window_params = [{transform_indices = @transform_0, window_bounds = array<i64: 256, 32>}, {pipeline_mode = #tpu.pipeline_mode<synchronous>, transform_indices = @transform_1, window_bounds = array<i64: 32, 8192>}, {transform_indices = @transform_2, window_bounds = array<i64: 256, 1>}, {pipeline_mode = #tpu.pipeline_mode<synchronous>, transform_indices = @transform_3, window_bounds = array<i64: 1, 8192>}, {transform_indices = @transform_4, window_bounds = array<i64: 256, 1>}, {pipeline_mode = #tpu.pipeline_mode<synchronous>, transform_indices = @transform_5, window_bounds = array<i64: 1, 8192>}, {pipeline_mode = #tpu.pipeline_mode<synchronous>, transform_indices = @transform_6, window_bounds = array<i64: 32, 8192>}, {pipeline_mode = #tpu.pipeline_mode<synchronous>, transform_indices = @transform_7, window_bounds = array<i64: 1, 1>}, {pipeline_mode = #tpu.pipeline_mode<synchronous>, transform_indices = @transform_8, window_bounds = array<i64: 1, 1>}]} {
    %get3A = arith.constant 0 : index
    %get3A_0 = arith.constant 0 : index
    %get3A_1 = vector.load %arg1[%get3A, %get3A_0] : memref<256x32xf32, #tpu.memory_space<vmem>>, vector<256x32xf32>
    %get3A_2 = arith.constant 0 : index
    %get3A_3 = arith.constant 0 : index
    %get3A_4 = vector.load %arg2[%get3A_2, %get3A_3] : memref<32x8192xf32, #tpu.memory_space<vmem>>, vector<32x8192xf32>
    %dot_general3A = arith.constant dense<0.000000e+00> : vector<256x8192xf32>
    %dot_general3A_5 = tpu.matmul %get3A_1, %get3A_4, %dot_general3A {dimension_numbers = #tpu.dot_dimension_numbers<[1], [0], [0], [1], [0, 0, 1, 1], [], []>, transpose_lhs_hint = false} : vector<256x32xf32>, vector<32x8192xf32>, vector<256x8192xf32> -> vector<256x8192xf32>
    %get3A_6 = arith.constant 0 : index
    %get3A_7 = arith.constant 0 : index
    %get3A_8 = vector.load %arg3[%get3A_6, %get3A_7] : memref<256x1xf32, #tpu.memory_space<vmem>>, vector<256x1xf32>
    %mul3A = arith.constant 2.000000e+00 : f32
    %mul3A_9 = vector.broadcast %mul3A : f32 to vector<256x8192xf32>
    %mul3A_10 = arith.mulf %mul3A_9, %dot_general3A_5 : vector<256x8192xf32>
    %sub3A = vector.broadcast %get3A_8 : vector<256x1xf32> to vector<256x8192xf32>
    %sub3A_11 = arith.subf %sub3A, %mul3A_10 : vector<256x8192xf32>
    %get3A_12 = arith.constant 0 : index
    %get3A_13 = arith.constant 0 : index
    %get3A_14 = vector.load %arg4[%get3A_12, %get3A_13] : memref<1x8192xf32, #tpu.memory_space<vmem>>, vector<1x8192xf32>
    %add3A = vector.broadcast %get3A_14 : vector<1x8192xf32> to vector<256x8192xf32>
    %add3A_15 = arith.addf %sub3A_11, %add3A : vector<256x8192xf32>
    %iota3A = tpu.iota {dimensions = array<i32: 1>} : vector<256x8192xi32>
    %slice3A = vector.extract_strided_slice %add3A_15 {offsets = [0, 0], sizes = [256, 2048], strides = [1, 1]} : vector<256x8192xf32> to vector<256x2048xf32>
    %slice3A_16 = vector.extract_strided_slice %iota3A {offsets = [0, 0], sizes = [256, 2048], strides = [1, 1]} : vector<256x8192xi32> to vector<256x2048xi32>
    %reduce_min3A = arith.constant dense<0x7F800000> : vector<256xf32>
    %reduce_min3A_17 = vector.multi_reduction <minimumf>, %slice3A, %reduce_min3A [1] : vector<256x2048xf32> to vector<256xf32>
    %broadcast_in_dim3A = vector.shape_cast %reduce_min3A_17 : vector<256xf32> to vector<256x1xf32>
    %eq3A = vector.broadcast %broadcast_in_dim3A : vector<256x1xf32> to vector<256x2048xf32>
    %eq3A_18 = arith.cmpf oeq, %slice3A, %eq3A : vector<256x2048xf32>
    %jit3A = arith.constant 8192 : i32
    %broadcast_in_dim3A_19 = vector.broadcast %jit3A : i32 to vector<256x2048xi32>
    %select_n3A = arith.select %eq3A_18, %slice3A_16, %broadcast_in_dim3A_19 : vector<256x2048xi1>, vector<256x2048xi32>
    %reduce_min3A_20 = arith.constant dense<2147483647> : vector<256xi32>
    %reduce_min3A_21 = vector.multi_reduction <minsi>, %select_n3A, %reduce_min3A_20 [1] : vector<256x2048xi32> to vector<256xi32>
    %broadcast_in_dim3A_22 = vector.shape_cast %reduce_min3A_21 : vector<256xi32> to vector<256x1xi32>
    %slice3A_23 = vector.extract_strided_slice %add3A_15 {offsets = [0, 2048], sizes = [256, 2048], strides = [1, 1]} : vector<256x8192xf32> to vector<256x2048xf32>
    %slice3A_24 = vector.extract_strided_slice %iota3A {offsets = [0, 2048], sizes = [256, 2048], strides = [1, 1]} : vector<256x8192xi32> to vector<256x2048xi32>
    %reduce_min3A_25 = arith.constant dense<0x7F800000> : vector<256xf32>
    %reduce_min3A_26 = vector.multi_reduction <minimumf>, %slice3A_23, %reduce_min3A_25 [1] : vector<256x2048xf32> to vector<256xf32>
    %broadcast_in_dim3A_27 = vector.shape_cast %reduce_min3A_26 : vector<256xf32> to vector<256x1xf32>
    %eq3A_28 = vector.broadcast %broadcast_in_dim3A_27 : vector<256x1xf32> to vector<256x2048xf32>
    %eq3A_29 = arith.cmpf oeq, %slice3A_23, %eq3A_28 : vector<256x2048xf32>
    %jit3A_30 = arith.constant 8192 : i32
    %broadcast_in_dim3A_31 = vector.broadcast %jit3A_30 : i32 to vector<256x2048xi32>
    %select_n3A_32 = arith.select %eq3A_29, %slice3A_24, %broadcast_in_dim3A_31 : vector<256x2048xi1>, vector<256x2048xi32>
    %reduce_min3A_33 = arith.constant dense<2147483647> : vector<256xi32>
    %reduce_min3A_34 = vector.multi_reduction <minsi>, %select_n3A_32, %reduce_min3A_33 [1] : vector<256x2048xi32> to vector<256xi32>
    %broadcast_in_dim3A_35 = vector.shape_cast %reduce_min3A_34 : vector<256xi32> to vector<256x1xi32>
    %slice3A_36 = vector.extract_strided_slice %add3A_15 {offsets = [0, 4096], sizes = [256, 2048], strides = [1, 1]} : vector<256x8192xf32> to vector<256x2048xf32>
    %slice3A_37 = vector.extract_strided_slice %iota3A {offsets = [0, 4096], sizes = [256, 2048], strides = [1, 1]} : vector<256x8192xi32> to vector<256x2048xi32>
    %reduce_min3A_38 = arith.constant dense<0x7F800000> : vector<256xf32>
    %reduce_min3A_39 = vector.multi_reduction <minimumf>, %slice3A_36, %reduce_min3A_38 [1] : vector<256x2048xf32> to vector<256xf32>
    %broadcast_in_dim3A_40 = vector.shape_cast %reduce_min3A_39 : vector<256xf32> to vector<256x1xf32>
    %eq3A_41 = vector.broadcast %broadcast_in_dim3A_40 : vector<256x1xf32> to vector<256x2048xf32>
    %eq3A_42 = arith.cmpf oeq, %slice3A_36, %eq3A_41 : vector<256x2048xf32>
    %jit3A_43 = arith.constant 8192 : i32
    %broadcast_in_dim3A_44 = vector.broadcast %jit3A_43 : i32 to vector<256x2048xi32>
    %select_n3A_45 = arith.select %eq3A_42, %slice3A_37, %broadcast_in_dim3A_44 : vector<256x2048xi1>, vector<256x2048xi32>
    %reduce_min3A_46 = arith.constant dense<2147483647> : vector<256xi32>
    %reduce_min3A_47 = vector.multi_reduction <minsi>, %select_n3A_45, %reduce_min3A_46 [1] : vector<256x2048xi32> to vector<256xi32>
    %broadcast_in_dim3A_48 = vector.shape_cast %reduce_min3A_47 : vector<256xi32> to vector<256x1xi32>
    %slice3A_49 = vector.extract_strided_slice %add3A_15 {offsets = [0, 6144], sizes = [256, 2048], strides = [1, 1]} : vector<256x8192xf32> to vector<256x2048xf32>
    %slice3A_50 = vector.extract_strided_slice %iota3A {offsets = [0, 6144], sizes = [256, 2048], strides = [1, 1]} : vector<256x8192xi32> to vector<256x2048xi32>
    %reduce_min3A_51 = arith.constant dense<0x7F800000> : vector<256xf32>
    %reduce_min3A_52 = vector.multi_reduction <minimumf>, %slice3A_49, %reduce_min3A_51 [1] : vector<256x2048xf32> to vector<256xf32>
    %broadcast_in_dim3A_53 = vector.shape_cast %reduce_min3A_52 : vector<256xf32> to vector<256x1xf32>
    %eq3A_54 = vector.broadcast %broadcast_in_dim3A_53 : vector<256x1xf32> to vector<256x2048xf32>
    %eq3A_55 = arith.cmpf oeq, %slice3A_49, %eq3A_54 : vector<256x2048xf32>
    %jit3A_56 = arith.constant 8192 : i32
    %broadcast_in_dim3A_57 = vector.broadcast %jit3A_56 : i32 to vector<256x2048xi32>
    %select_n3A_58 = arith.select %eq3A_55, %slice3A_50, %broadcast_in_dim3A_57 : vector<256x2048xi1>, vector<256x2048xi32>
    %reduce_min3A_59 = arith.constant dense<2147483647> : vector<256xi32>
    %reduce_min3A_60 = vector.multi_reduction <minsi>, %select_n3A_58, %reduce_min3A_59 [1] : vector<256x2048xi32> to vector<256xi32>
    %broadcast_in_dim3A_61 = vector.shape_cast %reduce_min3A_60 : vector<256xi32> to vector<256x1xi32>
    %convert_element_type3A = arith.truncf %broadcast_in_dim3A : vector<256x1xf32> to vector<256x1xbf16>
    %convert_element_type3A_62 = arith.extf %convert_element_type3A : vector<256x1xbf16> to vector<256x1xf32>
    %lt3A = arith.cmpf olt, %broadcast_in_dim3A_27, %convert_element_type3A_62 : vector<256x1xf32>
    %select_n3A_63 = arith.select %lt3A, %broadcast_in_dim3A_35, %broadcast_in_dim3A_22 : vector<256x1xi1>, vector<256x1xi32>
    %select_n3A_64 = arith.select %lt3A, %broadcast_in_dim3A_27, %broadcast_in_dim3A : vector<256x1xi1>, vector<256x1xf32>
    %select_n3A_65 = arith.select %lt3A, %broadcast_in_dim3A_27, %convert_element_type3A_62 : vector<256x1xi1>, vector<256x1xf32>
    %convert_element_type3A_66 = arith.truncf %select_n3A_65 : vector<256x1xf32> to vector<256x1xbf16>
    %convert_element_type3A_67 = arith.extf %convert_element_type3A_66 : vector<256x1xbf16> to vector<256x1xf32>
    %lt3A_68 = arith.cmpf olt, %broadcast_in_dim3A_40, %convert_element_type3A_67 : vector<256x1xf32>
    %select_n3A_69 = arith.select %lt3A_68, %broadcast_in_dim3A_48, %select_n3A_63 : vector<256x1xi1>, vector<256x1xi32>
    %select_n3A_70 = arith.select %lt3A_68, %broadcast_in_dim3A_40, %select_n3A_64 : vector<256x1xi1>, vector<256x1xf32>
    %select_n3A_71 = arith.select %lt3A_68, %broadcast_in_dim3A_40, %convert_element_type3A_67 : vector<256x1xi1>, vector<256x1xf32>
    %convert_element_type3A_72 = arith.truncf %select_n3A_71 : vector<256x1xf32> to vector<256x1xbf16>
    %convert_element_type3A_73 = arith.extf %convert_element_type3A_72 : vector<256x1xbf16> to vector<256x1xf32>
    %lt3A_74 = arith.cmpf olt, %broadcast_in_dim3A_53, %convert_element_type3A_73 : vector<256x1xf32>
    %select_n3A_75 = arith.select %lt3A_74, %broadcast_in_dim3A_61, %select_n3A_69 : vector<256x1xi1>, vector<256x1xi32>
    %select_n3A_76 = arith.select %lt3A_74, %broadcast_in_dim3A_53, %select_n3A_70 : vector<256x1xi1>, vector<256x1xf32>
    %swap3A = arith.constant 0 : index
    %swap3A_77 = arith.constant 0 : index
    %swap3A_78 = vector.load %arg5[%swap3A, %swap3A_77] : memref<256x1xi32, #tpu.memory_space<vmem>>, vector<256x1xi32>
    tpu.vector_store %arg5[%swap3A, %swap3A_77], %select_n3A_75 {strides = array<i32>} : memref<256x1xi32, #tpu.memory_space<vmem>>, vector<256x1xi32>,
    %eq3A_79 = vector.broadcast %select_n3A_75 : vector<256x1xi32> to vector<256x8192xi32>
    %eq3A_80 = arith.cmpi eq, %iota3A, %eq3A_79 : vector<256x8192xi32>
    %convert_element_type3A_81 = arith.extui %eq3A_80 : vector<256x8192xi1> to vector<256x8192xi32>
    %convert_element_type3A_82 = arith.sitofp %convert_element_type3A_81 : vector<256x8192xi32> to vector<256x8192xf32>
    %convert_element_type3A_83 = arith.truncf %convert_element_type3A_82 : vector<256x8192xf32> to vector<256x8192xbf16>
    %convert_element_type3A_84 = arith.truncf %get3A_1 : vector<256x32xf32> to vector<256x32xbf16>
    %dot_general3A_85 = arith.constant dense<0.000000e+00> : vector<32x8192xf32>
    %dot_general3A_86 = tpu.matmul %convert_element_type3A_84, %convert_element_type3A_83, %dot_general3A_85 {dimension_numbers = #tpu.dot_dimension_numbers<[0], [0], [1], [1], [0, 1, 1, 1], [], []>, transpose_lhs_hint = false} : vector<256x32xbf16>, vector<256x8192xbf16>, vector<32x8192xf32> -> vector<32x8192xf32>
    %broadcast_in_dim3A_87 = arith.constant 1.000000e+00 : bf16
    %broadcast_in_dim3A_88 = vector.broadcast %broadcast_in_dim3A_87 : bf16 to vector<1x256xbf16>
    %dot_general3A_89 = arith.constant dense<0.000000e+00> : vector<1x8192xf32>
    %dot_general3A_90 = tpu.matmul %broadcast_in_dim3A_88, %convert_element_type3A_83, %dot_general3A_89 {dimension_numbers = #tpu.dot_dimension_numbers<[1], [0], [0], [1], [0, 0, 1, 1], [], []>, transpose_lhs_hint = false} : vector<1x256xbf16>, vector<256x8192xbf16>, vector<1x8192xf32> -> vector<1x8192xf32>
    %eq3A_91 = arith.constant 0 : i32
    %eq3A_92 = arith.cmpi eq, %arg0, %eq3A_91 : i32
    %convert_element_type3A_93 = arith.extui %eq3A_92 : i1 to i32
    %cond3A = arith.constant 0 : i32
    %cond3A_94 = arith.cmpi ne, %convert_element_type3A_93, %cond3A : i32
    scf.if %cond3A_94 {
      %broadcast_in_dim3A_129 = arith.constant 0.000000e+00 : f32
      %broadcast_in_dim3A_130 = vector.broadcast %broadcast_in_dim3A_129 : f32 to vector<1x8192xf32>
      %swap3A_131 = arith.constant 0 : index
      %swap3A_132 = arith.constant 0 : index
      %swap3A_133 = vector.load %arg6[%swap3A_131, %swap3A_132] : memref<1x8192xf32, #tpu.memory_space<vmem>>, vector<1x8192xf32>
      tpu.vector_store %arg6[%swap3A_131, %swap3A_132], %broadcast_in_dim3A_130 {strides = array<i32>} : memref<1x8192xf32, #tpu.memory_space<vmem>>, vector<1x8192xf32>,
      %broadcast_in_dim3A_134 = arith.constant 0.000000e+00 : f32
      %broadcast_in_dim3A_135 = vector.broadcast %broadcast_in_dim3A_134 : f32 to vector<32x8192xf32>
      %swap3A_136 = arith.constant 0 : index
      %swap3A_137 = arith.constant 0 : index
      %swap3A_138 = vector.load %arg7[%swap3A_136, %swap3A_137] : memref<32x8192xf32, #tpu.memory_space<vmem>>, vector<32x8192xf32>
      tpu.vector_store %arg7[%swap3A_136, %swap3A_137], %broadcast_in_dim3A_135 {strides = array<i32>} : memref<32x8192xf32, #tpu.memory_space<vmem>>, vector<32x8192xf32>,
      %broadcast_in_dim3A_139 = arith.constant 0.000000e+00 : f32
      %broadcast_in_dim3A_140 = vector.broadcast %broadcast_in_dim3A_139 : f32 to vector<1x1xf32>
      %swap3A_141 = arith.constant 0 : index
      %swap3A_142 = arith.constant 0 : index
      %swap3A_143 = vector.load %arg8[%swap3A_141, %swap3A_142] : memref<1x1xf32, #tpu.memory_space<vmem>>, vector<1x1xf32>
      tpu.vector_store %arg8[%swap3A_141, %swap3A_142], %broadcast_in_dim3A_140 {strides = array<i32>} : memref<1x1xf32, #tpu.memory_space<vmem>>, vector<1x1xf32>,
    } else {
    }
    %get3A_95 = arith.constant 0 : index
    %get3A_96 = arith.constant 0 : index
    %get3A_97 = vector.load %arg6[%get3A_95, %get3A_96] : memref<1x8192xf32, #tpu.memory_space<vmem>>, vector<1x8192xf32>
    %add3A_98 = arith.addf %get3A_97, %dot_general3A_90 : vector<1x8192xf32>
    %swap3A_99 = arith.constant 0 : index
    %swap3A_100 = arith.constant 0 : index
    %swap3A_101 = vector.load %arg6[%swap3A_99, %swap3A_100] : memref<1x8192xf32, #tpu.memory_space<vmem>>, vector<1x8192xf32>
    tpu.vector_store %arg6[%swap3A_99, %swap3A_100], %add3A_98 {strides = array<i32>} : memref<1x8192xf32, #tpu.memory_space<vmem>>, vector<1x8192xf32>,
    %get3A_102 = arith.constant 0 : index
    %get3A_103 = arith.constant 0 : index
    %get3A_104 = vector.load %arg7[%get3A_102, %get3A_103] : memref<32x8192xf32, #tpu.memory_space<vmem>>, vector<32x8192xf32>
    %add3A_105 = arith.addf %get3A_104, %dot_general3A_86 : vector<32x8192xf32>
    %swap3A_106 = arith.constant 0 : index
    %swap3A_107 = arith.constant 0 : index
    %swap3A_108 = vector.load %arg7[%swap3A_106, %swap3A_107] : memref<32x8192xf32, #tpu.memory_space<vmem>>, vector<32x8192xf32>
    tpu.vector_store %arg7[%swap3A_106, %swap3A_107], %add3A_105 {strides = array<i32>} : memref<32x8192xf32, #tpu.memory_space<vmem>>, vector<32x8192xf32>,
    %get3A_109 = arith.constant 0 : index
    %get3A_110 = arith.constant 0 : index
    %get3A_111 = vector.load %arg8[%get3A_109, %get3A_110] : memref<1x1xf32, #tpu.memory_space<vmem>>, vector<1x1xf32>
    %broadcast_in_dim3A_112 = arith.constant 0.000000e+00 : f32
    %broadcast_in_dim3A_113 = vector.broadcast %broadcast_in_dim3A_112 : f32 to vector<1x1xf32>
    %reduce_sum3A = vector.shape_cast %select_n3A_76 : vector<256x1xf32> to vector<1x256x1xf32>
    %reduce_sum3A_114 = arith.constant dense<0.000000e+00> : vector<1xf32>
    %reduce_sum3A_115 = vector.multi_reduction <add>, %reduce_sum3A, %reduce_sum3A_114 [1, 2] : vector<1x256x1xf32> to vector<1xf32>
    %reduce_sum3A_116 = vector.shape_cast %reduce_sum3A_115 : vector<1xf32> to vector<1x1x1xf32>
    %reduce_sum3A_117 = vector.extract %reduce_sum3A_116[0, 0, 0] : f32 from vector<1x1x1xf32>
    %add3A_118 = vector.broadcast %reduce_sum3A_117 : f32 to vector<1x1xf32>
    %add3A_119 = arith.addf %broadcast_in_dim3A_113, %add3A_118 : vector<1x1xf32>
    %add3A_120 = arith.addf %get3A_111, %add3A_119 : vector<1x1xf32>
    %swap3A_121 = arith.constant 0 : index
    %swap3A_122 = arith.constant 0 : index
    %swap3A_123 = vector.load %arg8[%swap3A_121, %swap3A_122] : memref<1x1xf32, #tpu.memory_space<vmem>>, vector<1x1xf32>
    tpu.vector_store %arg8[%swap3A_121, %swap3A_122], %add3A_120 {strides = array<i32>} : memref<1x1xf32, #tpu.memory_space<vmem>>, vector<1x1xf32>,
    %eq3A_124 = arith.constant 31 : i32
    %eq3A_125 = arith.cmpi eq, %arg0, %eq3A_124 : i32
    %convert_element_type3A_126 = arith.extui %eq3A_125 : i1 to i32
    %cond3A_127 = arith.constant 0 : i32
    %cond3A_128 = arith.cmpi ne, %convert_element_type3A_126, %cond3A_127 : i32
    scf.if %cond3A_128 {
      %get3A_129 = arith.constant 0 : index
      %get3A_130 = arith.constant 0 : index
      %get3A_131 = vector.load %arg6[%get3A_129, %get3A_130] : memref<1x8192xf32, #tpu.memory_space<vmem>>, vector<1x8192xf32>
      %div3A = arith.constant 8.192000e+03 : f32
      %div3A_132 = vector.broadcast %div3A : f32 to vector<1x8192xf32>
      %div3A_133 = arith.divf %get3A_131, %div3A_132 : vector<1x8192xf32>
      %add3A_134 = arith.constant 1.000000e-10 : f32
      %add3A_135 = vector.broadcast %add3A_134 : f32 to vector<1x8192xf32>
      %add3A_136 = arith.addf %div3A_133, %add3A_135 : vector<1x8192xf32>
      %log3A = math.log %add3A_136 : vector<1x8192xf32>
      %mul3A_137 = arith.mulf %div3A_133, %log3A : vector<1x8192xf32>
      %reduce_sum3A_138 = vector.shape_cast %mul3A_137 : vector<1x8192xf32> to vector<1x1x8192xf32>
      %reduce_sum3A_139 = arith.constant dense<0.000000e+00> : vector<1xf32>
      %reduce_sum3A_140 = vector.multi_reduction <add>, %reduce_sum3A_138, %reduce_sum3A_139 [1, 2] : vector<1x1x8192xf32> to vector<1xf32>
      %reduce_sum3A_141 = vector.shape_cast %reduce_sum3A_140 : vector<1xf32> to vector<1x1x1xf32>
      %reduce_sum3A_142 = vector.extract %reduce_sum3A_141[0, 0, 0] : f32 from vector<1x1x1xf32>
      %neg3A = arith.constant 0.000000e+00 : f32
      %neg3A_143 = arith.subf %neg3A, %reduce_sum3A_142 : f32
      %exp3A = math.exp %neg3A_143 : f32
      %reshape3A = vector.broadcast %exp3A : f32 to vector<1x1xf32>
      %swap3A_144 = arith.constant 0 : index
      %swap3A_145 = arith.constant 0 : index
      %swap3A_146 = vector.load %arg9[%swap3A_144, %swap3A_145] : memref<1x1xf32, #tpu.memory_space<vmem>>, vector<1x1xf32>
      tpu.vector_store %arg9[%swap3A_144, %swap3A_145], %reshape3A {strides = array<i32>} : memref<1x1xf32, #tpu.memory_space<vmem>>, vector<1x1xf32>,
      %get3A_147 = arith.constant 0 : index
      %get3A_148 = arith.constant 0 : index
      %get3A_149 = vector.load %arg8[%get3A_147, %get3A_148] : memref<1x1xf32, #tpu.memory_space<vmem>>, vector<1x1xf32>
      %div3A_150 = arith.constant 2.621440e+05 : f32
      %div3A_151 = vector.broadcast %div3A_150 : f32 to vector<1x1xf32>
      %div3A_152 = arith.divf %get3A_149, %div3A_151 : vector<1x1xf32>
      %swap3A_153 = arith.constant 0 : index
      %swap3A_154 = arith.constant 0 : index
      %swap3A_155 = vector.load %arg8[%swap3A_153, %swap3A_154] : memref<1x1xf32, #tpu.memory_space<vmem>>, vector<1x1xf32>
      tpu.vector_store %arg8[%swap3A_153, %swap3A_154], %div3A_152 {strides = array<i32>} : memref<1x1xf32, #tpu.memory_space<vmem>>, vector<1x1xf32>,
    } else {
    }
    return
  }
  func.func @transform_0(%arg0: i32) -> (i32, i32) {
    %c0_i32 = arith.constant 0 : i32
    %c0_i32_0 = arith.constant 0 : i32
    return %arg0, %c0_i32 : i32, i32
  }
  func.func @transform_1(%arg0: i32) -> (i32, i32) {
    %c0_i32 = arith.constant 0 : i32
    %c0_i32_0 = arith.constant 0 : i32
    %c0_i32_1 = arith.constant 0 : i32
    return %c0_i32, %c0_i32_0 : i32, i32
  }
  func.func @transform_2(%arg0: i32) -> (i32, i32) {
    %c0_i32 = arith.constant 0 : i32
    %c0_i32_0 = arith.constant 0 : i32
    return %arg0, %c0_i32 : i32, i32
  }
  func.func @transform_3(%arg0: i32) -> (i32, i32) {
    %c0_i32 = arith.constant 0 : i32
    %c0_i32_0 = arith.constant 0 : i32
    %c0_i32_1 = arith.constant 0 : i32
    return %c0_i32, %c0_i32_0 : i32, i32
  }
  func.func @transform_4(%arg0: i32) -> (i32, i32) {
    %c0_i32 = arith.constant 0 : i32
    %c0_i32_0 = arith.constant 0 : i32
    return %arg0, %c0_i32 : i32, i32
  }
  func.func @transform_5(%arg0: i32) -> (i32, i32) {
    %c0_i32 = arith.constant 0 : i32
    %c0_i32_0 = arith.constant 0 : i32
    %c0_i32_1 = arith.constant 0 : i32
    return %c0_i32, %c0_i32_0 : i32, i32
  }
  func.func @transform_6(%arg0: i32) -> (i32, i32) {
    %c0_i32 = arith.constant 0 : i32
    %c0_i32_0 = arith.constant 0 : i32
    %c0_i32_1 = arith.constant 0 : i32
    return %c0_i32, %c0_i32_0 : i32, i32
  }
  func.func @transform_7(%arg0: i32) -> (i32, i32) {
    %c0_i32 = arith.constant 0 : i32
    %c0_i32_0 = arith.constant 0 : i32
    %c0_i32_1 = arith.constant 0 : i32
    return %c0_i32, %c0_i32_0 : i32, i32
  }
  func.func @transform_8(%arg0: i32) -> (i32, i32) {
    %c0_i32 = arith.constant 0 : i32
    %c0_i32_0 = arith.constant 0 : i32
    %c0_i32_1 = arith.constant 0 : i32
    return %c0_i32, %c0_i32_0 : i32, i32
  }
}

</mosaic_0001>

<sc_bundles>
// kernel: kernel.4.cloned.1.call-start
scs
__scs_entry_jumppad:
0x0: {  	(pc) =	sbr.rel $0x88, $3  }
0x1: {  	(tag) =	ssettag $0x0;
	lr =	simm.s32 $0x1  }
0x2: {  	[smem:$0x3F9F] =	sst lr;
	_ =	strace $0xD0000000  }
0x3: {  	_ = 	snop  }
0x4: {  	_ = 	snop  }
0x5: {  	_ = 	snop  }
0x6: {  	_ = 	snop  }
0x7: {  	_ = 	snop  }
__scs_overlays_trampoline_lowered:
0x8: {  	[smem:$0x3FAE] =	sst s0  }
0x9: {  	[smem:$0x3FAF] =	sst s1  }
0xa: {  	[smem:$0x3FB0] =	sst s2  }
0xb: {  	[smem:$0x3FB1] =	sst s3  }
0xc: {  	[smem:$0x3FB2] =	sst s4  }
0xd: {  	[smem:$0x3FB3] =	sst s5  }
0xe: {  	[smem:$0x3FB4] =	sst s6  }
0xf: {  	[smem:$0x3FB5] =	sst s7  }
0x10: {  	[smem:$0x3FB6] =	sst s8  }
0x11: {  	[smem:$0x3FB7] =	sst s9;
	s0 =	simm.s32 @!p0 $0x0  }
0x12: {  	s1 =	sld [smem:$0x3F9D];
	s0 =	simm.s32 @p0 $0x1  }
0x13: {  	[smem:$0x3FB8] =	sst s0;
	s0 =	simm.s32 @!p1 $0x0  }
0x14: {  	s2 =	sld [smem:$0x3F9C];
	s0 =	simm.s32 @p1 $0x1  }
0x15: {  	[smem:$0x3FB9] =	sst s0;
	s0 =	simm.s32 @!p2 $0x0  }
0x16: {  	s3 =	sld [smem:$0x3FDB];
	s0 =	simm.s32 @p2 $0x1  }
0x17: {  	s4 =	simm.s32 $0x1BF5;
	[smem:$0x3FBB] =	sst s0  }
0x18: {  	s0 =	sld [smem:$0x3F9E];
	_ =	swait.ge [sflag:s4], $0x0  }
0x19: {  	s7 =	sld [smem:$0x3F9F]  }
0x1a: {  	s8 =	sadd.s32 $0xFFFFE003, lr  }
0x1b: {  	s9 =	sadd.s32 $0xFFFFFEF7, lr;
	s5 =	simm.s32 $0xFFFFFFFF;
	p2 =	slt.u32 s8, $0xFFFFF086  }
0x1c: {  	p1 =	slt.u32 s9, $0xF7A;
	s5 =	simm.s32 @!p2 $0x0  }
0x1d: {  	s5 =	simm.s32 @p1 $0x1;
	p0 =	seq.s32 s7, s2  }
0x1e: {  	s7 =	smul.u32 @!p0 $0xF7A, s2;
	p2 =	seq.s32 @!p0 s5, $0x0  }
0x1f: {  	s9 =	smul.u32 $0xF7A, s1;
	s8 =	simm.s32 @!p0 $0x1BF5;
	p2 =	por !p2, p0  }
0x20: {  	[sflag:s8] =	ssyncset.s32 @!p0 $0xFFFFF086;
	s6 =	sadd.s32 @!p0 s3, s7;
	s7 =	simm.s32 @!p0 $0x108  }
0x21: {  	s3 =	sadd.s32 s3, s9;
	s6 =	sadd.s32 @!p0 $0x88, s6;
	s7 =	simm.s32 @p2 $0x1082  }
0x22: {  	[simem:s7], [sflag:s8] =	dma.local @!p0 [hbm:s6], $0xF7A  }
0x23: {  	s9 =	sor.u32 $0xD0000000, s2;
	s6 =	simm.s32 $0x108;
	_ =	swait.ge @!p0 [sflag:s8], $0x0  }
0x24: {  	s3 =	sadd.s32 $0x88, s3;
	s6 =	simm.s32 @!p1 $0x1082;
	[sflag:s4] =	ssyncset.s32 $0xFFFFF086  }
0x25: {  	[simem:s6], [sflag:s4] =	dma.local [hbm:s3], $0xF7A  }
0x26: {  	[smem:$0x3F9F] =	sst s1;
	(tag) =	ssettag s2;
	_ =	strace s9  }
0x27: {  	s1 =	sld [smem:$0x3FAF]  }
0x28: {  	s2 =	sld [smem:$0x3FB0]  }
0x29: {  	s4 =	sld [smem:$0x3FB2]  }
0x2a: {  	p0 =	seq.s32 s5, $0x0;
	s5 =	sld [smem:$0x3FB3]  }
0x2b: {  	s6 =	sld [smem:$0x3FB4]  }
0x2c: {  	s7 =	sld [smem:$0x3FB5]  }
0x2d: {  	s3 =	simm.s32 $0x108;
	s8 =	sld [smem:$0x3FB6]  }
0x2e: {  	s3 =	simm.s32 @!p0 $0x1082;
	s9 =	sld [smem:$0x3FB7]  }
0x2f: {  	lr =	sadd.s32 s0, s3;
	s0 =	sld [smem:$0x3FAE]  }
0x30: {  	s3 =	sld [smem:$0x3FB1]  }
0x31: {  	[smem:$0x3FBA] =	sst s10  }
0x32: {  	s10 =	sld [smem:$0x3FB8];
	_ =	sdelay $0x3  }
0x33: {  	p0 =	seq.s32 s10, $0x1;
	s10 =	sld [smem:$0x3FBA];
	_ =	sdelay $0x3  }
0x34: {  	[smem:$0x3FBA] =	sst s10  }
0x35: {  	s10 =	sld [smem:$0x3FB9];
	_ =	sdelay $0x3  }
0x36: {  	p1 =	seq.s32 s10, $0x1;
	s10 =	sld [smem:$0x3FBA];
	_ =	sdelay $0x3  }
0x37: {  	[smem:$0x3FBA] =	sst s10  }
0x38: {  	s10 =	sld [smem:$0x3FBB]  }
0x39: {  	_ = 	snop;
	(pc) =	sbr.ind lr, $3  }
0x3a: {  	_ = 	snop  }
0x3b: {  	_ = 	snop  }
0x3c: {  	p2 =	seq.s32 s10, $0x1;
	s10 =	sld [smem:$0x3FBA]  }
0x3d: {  	_ =	shalt  }
0x3e: {  	_ =	shalt  }
0x3f: {  	_ =	shalt  }
0x40: {  	_ =	shalt  }
0x41: {  	_ =	shalt  }
0x42: {  	_ =	shalt  }
0x43: {  	_ =	shalt  }
0x44: {  	_ =	shalt  }
0x45: {  	_ =	shalt  }
0x46: {  	_ =	shalt  }
0x47: {  	_ =	shalt  }
0x48: {  	_ =	shalt  }
0x49: {  	_ =	shalt  }
0x4a: {  	_ =	shalt  }
0x4b: {  	_ =	shalt  }
0x4c: {  	_ =	shalt  }
0x4d: {  	_ =	shalt  }
0x4e: {  	_ =	shalt  }
0x4f: {  	_ =	shalt  }
0x50: {  	_ =	shalt  }
0x51: {  	_ =	shalt  }
0x52: {  	_ =	shalt  }
0x53: {  	_ =	shalt  }
0x54: {  	_ =	shalt  }
0x55: {  	_ =	shalt  }
0x56: {  	_ =	shalt  }
0x57: {  	_ =	shalt  }
0x58: {  	_ =	shalt  }
0x59: {  	_ =	shalt  }
0x5a: {  	_ =	shalt  }
0x5b: {  	_ =	shalt  }
0x5c: {  	_ =	shalt  }
0x5d: {  	_ =	shalt  }
0x5e: {  	_ =	shalt  }
0x5f: {  	_ =	shalt  }
0x60: {  	_ =	shalt  }
0x61: {  	_ =	shalt  }
0x62: {  	_ =	shalt  }
0x63: {  	_ =	shalt  }
0x64: {  	_ =	shalt  }
0x65: {  	_ =	shalt  }
0x66: {  	_ =	shalt  }
0x67: {  	_ =	shalt  }
0x68: {  	_ =	shalt  }
0x69: {  	_ =	shalt  }
0x6a: {  	_ =	shalt  }
0x6b: {  	_ =	shalt  }
0x6c: {  	_ =	shalt  }
0x6d: {  	_ =	shalt  }
0x6e: {  	_ =	shalt  }
0x6f: {  	_ =	shalt  }
0x70: {  	_ =	shalt  }
0x71: {  	_ =	shalt  }
0x72: {  	_ =	shalt  }
0x73: {  	_ =	shalt  }
0x74: {  	_ =	shalt  }
0x75: {  	_ =	shalt  }
0x76: {  	_ =	shalt  }
0x77: {  	_ =	shalt  }
0x78: {  	_ =	shalt  }
0x79: {  	_ =	shalt  }
0x7a: {  	_ =	shalt  }
0x7b: {  	_ =	shalt  }
0x7c: {  	_ =	shalt  }
0x7d: {  	_ =	shalt  }
0x7e: {  	_ =	shalt  }
0x7f: {  	_ =	shalt  }
0x80: {  	_ =	shalt  }
0x81: {  	_ =	shalt  }
0x82: {  	_ =	shalt  }
0x83: {  	_ =	shalt  }
0x84: {  	_ =	shalt  }
0x85: {  	_ =	shalt  }
0x86: {  	_ =	shalt  }
0x87: {  	_ =	shalt  }
.Lfunc_end0:
.L_simem_size_0:
called_computation_lowered:
.L_overlay_start_0:
0x88: {  	s2 =	sld [smem:$0x3FD9]  }
0x89: {  	s3 =	sld [smem:$0x3FFE];
	_ =	sdelay $0x1  }
0x8a: {  	s1 =	srdreg.scid  }
0x8b: {  	s0 =	sand.u32 $0x1, s1  }
0x8c: {  	s14 =	sshll.u32 s0, $0xA;
	s2 =	sadd.s32 s3, s2  }
0x8d: {  	s2 =	sadd.s32 s2, s14  }
0x8e: {  	[smem:$0x3FC6] =	sst s2  }
0x8f: {  	_ = 	snop  }
0x90: {  	s2 =	sld [smem:$0x3FD0];
	_ =	sdelay $0x2  }
0x91: {  	s15 =	simm.s32 $0xA;
	s4 =	simm.s32 $0x10  }
0x92: {  	[smem:s4], [sflag:s15] =	dma.local [hbm:s2], $0x1  }
0x93: {  	_ =	swait.eq [sflag:s15], $0x1  }
0x94: {  	[sflag:s15] =	ssyncset.done $0x0  }
0x95: {  	[sflag:s15] =	ssyncadd.s32 $0xFFFFFFFF  }
0x96: {  	s16 =	sld [smem:$0x14];
	(tm) =	ssettm $0x1  }
0x97: {  	s17 =	sld [smem:$0x3FFB];
	_ =	sdelay $0x3  }
0x98: {  	_ =	strace s17  }
0x99: {  	s3 =	sld [smem:$0x3FFC];
	_ =	sdelay $0x3  }
0x9a: {  	_ =	strace s3  }
0x9b: {  	s3 =	sld [smem:$0x3FFD];
	_ =	sdelay $0x3  }
0x9c: {  	_ =	strace s3  }
0x9d: {  	_ =	strace $0x8FFFFFFF  }
0x9e: {  	s18 =	sld [smem:$0x3FDB];
	_ =	sdelay $0x1  }
0x9f: {  	s19 =	simm.s32 $_scs_section_size  }
0xa0: {  	s5 =	simm.s32 $_size__tile_overlayer_lowered;
	s6 =	simm.s32 $_tile_overlayer_lowered  }
0xa1: {  	s22 =	simm.s32 $0x1BFF;
	s21 =	sshll.u32 s6, $0x1;
	s3 =	sadd.s32 s19, s18  }
0xa2: {  	s7 =	simm.s32 $0x0;
	s20 =	sshll.u32 s5, $0x1;
	s5 =	sadd.s32 s21, s3  }
0xa3: {  	[timem:s7], [sflag:s22] =	dma.local [hbm:s5], s20  }
0xa4: {  	_ =	swait.ge [sflag:s22], s20  }
0xa5: {  	s4 =	ssub.s32 $0x0, s20;
	[sflag:s22] =	ssyncset.done $0x0  }
0xa6: {  	[sflag:s22] =	ssyncadd.s32 s4;
	_ =	sdelay $0x1  }
0xa7: {  	s23 =	simm.s32 $0x1B8B  }
0xa8: {  	_ =	swait.ge [sflag:s23], $0x1  }
0xa9: {  	[sflag:s23] =	ssyncset.done $0x0  }
0xaa: {  	s25 =	simm.s32 $0x1B8E;
	s24 =	sld [smem:$0x3FFE];
	[sflag:s23] =	ssyncadd.s32 $0xFFFFFFFF  }
0xab: {  	s26 =	simm.s32 $execute0_lowered;
	[smem:$0x3FD2] =	sst s25  }
0xac: {  	s5 =	sshll.u32 s26, $0x1;
	_ =	strace $0x80000046;
	[dreg:$0x1] =	wrdreg $0xFFFFFFFF  }
0xad: {  	s28 =	simm.s32 $_size_execute0_lowered;
	s3 =	sadd.s32 s3, s5;
	[dreg:$0x0] =	wrdreg $0x0  }
0xae: {  	s5 =	sshll.u32 s28, $0x1;
	[dreg:$0x2] =	wrdreg s3  }
0xaf: {  	[dreg:$0x3] =	wrdreg s5  }
0xb0: {  	[dreg:$0x4] =	wrdreg $0xC0  }
0xb1: {  	_ =	task [dreg:s7], $0x5FFFF  }
0xb2: {  	[dreg:$0x1] =	wrdreg $0xFFFFFFFF  }
0xb3: {  	[dreg:$0x0] =	wrdreg $0x60  }
0xb4: {  	[dreg:$0x2] =	wrdreg s24  }
0xb5: {  	[dreg:$0x3] =	wrdreg s16  }
0xb6: {  	[dreg:$0x4] =	wrdreg $0x9  }
0xb7: {  	_ =	task.clear_ibuf [dreg:s7], $0x5FFFF;
	_ =	strace $0x90000046  }
0xb8: {  	s29 =	simm.s32 $0x9;
	_ =	strace $0x80000048  }
0xb9: {  	_ =	swait.ge [sflag:s29], $0x1  }
0xba: {  	[sflag:s29] =	ssyncadd.s32 $0xFFFFFFFF  }
0xbb: {  	_ =	strace $0x90000048  }
0xbc: {  	_ =	sfence  }
0xbd: {  	s30 =	sld [smem:$0x0];
	_ =	sdelay $0x2  }
0xbe: {  	s31 =	sshll.u32 s1, $0xD;
	s1 =	sshrl.u32 s1, $0x2  }
0xbf: {  	s3 =	sand.u32 $0x4000, s31;
	s1 =	sadd.s32 s1, s30  }
0xc0: {  	s0 =	sor.u32 s3, s0;
	s1 =	sshll.u32 s1, $0x11  }
0xc1: {  	s0 =	sor.u32 s1, s0  }
0xc2: {  	s0 =	sadd.s32 $0x8F2B, s0  }
0xc3: {  	[sflag:s0] =	ssyncadd.remote.s32 $0x1  }
0xc4: {  	_ =	sfence.sel $0xFFFF  }
0xc5: {  	[dreg:$0x0] =	wrdreg $0xFFFFFFFF;
	(pc) =	sbr.abs _section_cstart, $3  }
0xc6: {  	[dreg:$0x1] =	wrdreg $0xFFFFFFFF  }
0xc7: {  	_ =	task.clear_ibuf [dreg:s7], $0x2FFFF;
	_ =	strace $0x9FFFFFFF  }
0xc8: {  	(tm) =	ssettm $0x7FFFFFFF  }
0xc9: {  	_ =	shalt  }
tec
execute0_lowered:
.L_overlay_start_1:
0x0: {  	(tag) =	ssettag $0x1  }
0x1: {  	s2 =	rddreg [dreg:$0x0]  }
0x2: {  	s1 =	srdreg.scid;
	s0 =	stileid.u32  }
0x3: {  	s4 =	rddreg [dreg:$0x1];
	s9 =	sand.u32 $0x1, s1;
	s5 =	sshll.u32 s0, $0x1  }
0x4: {  	s3 =	simm.s32 $0x0;
	s1 =	rddreg [dreg:$0x2];
	s10 =	sor.u32 s9, s5  }
0x5: {  	[smem:$0x7FF] =	sst s3;
	s5 =	sshll.u32 s10, $0x5  }
0x6: {  	_ =	strace $0x80000047;
	s5 =	sadd.s32 s4, s5;
	s4 =	simm.s32 $0x2  }
0x7: {  	[tilespmem:s3], [sflag:$0x2] =	stream.linear.gather [hbm4b:s5+s3], $0x100, $0x38;
	[tilespmem:$0x8100] =	vst v63  }
0x8: {  	_ =	swait.ge [sflag:s4], $0x100  }
0x9: {  	s6 =	simm.s32 $0x80;
	s7 =	simm.s32 $0x100;
	[sflag:s4] =	ssyncset.done $0x0  }
0xa: {  	s8 =	simm.s32 $0x1;
	s11 =	ssub.s32 $0x2, s9;
	[sflag:s4] =	ssyncadd.s32 $0xFFFFFF00  }
0xb: {  	[tilespmem:s7], [sflag:$0x1] =	stream.indirect.gather [hbm4b:s2+s6], $0x80, s3, s6, $0xb8;
	[tilespmem:$0x8100] =	vst v63  }
0xc: {  	s12 =	sshrl.u32 s11, $0x1;
	_ =	swait.ge [sflag:s8], $0x4000  }
0xd: {  	s11 =	ssub.s32 s11, s12;
	[sflag:s8] =	ssyncset.done $0x0  }
0xe: {  	s9 =	simm.s32 $0x4100;
	s11 =	smax.u32 s11, $0x1;
	[sflag:s8] =	ssyncadd.s32 $0xFFFFC000  }
0xf: {  	[tilespmem:s9], [sflag:$0x1] =	stream.indirect.gather [hbm4b:s2+s6], $0x80, s6, s6, $0xb8;
	[tilespmem:$0x8100] =	vst v63  }
0x10: {  	s10 =	sshll.u32 s10, $0xC;
	p0 =	sne.s32 s11, $0x1;
	_ =	swait.ge [sflag:s8], $0x4000  }
.Ltmp0:
0x11: {  	s10 =	sadd.s32 s10, s2;
	[sflag:s8] =	ssyncset.done $0x0;
	(pc) =	sbr.rel @!p0 .LBB2_2-.Ltmp0, $4  }
0x12: {  	s10 =	sadd.s32 $0x20000, s10;
	[sflag:s8] =	ssyncadd.s32 $0xFFFFC000  }
0x13: {  	[hbm4b:s10+s3] =	stream.linear.scatter [tilespmem:s7], [sflag:$0x2], $0x8000, $0x38;
	[tilespmem:$0x8100] =	vst v63  }
0x14: {  	_ =	swait.ge [sflag:s4], $0x8000  }
0x15: {  	s11 =	sadd.s32 $0xFFFFFFFF, s11;
	[sflag:s4] =	ssyncset.done $0x0  }
.LBB2_1:
0x16: {  	p0 =	sne.s32 s11, $0x1;
	s11 =	sadd.s32 $0xFFFFFFFF, s11;
	[sflag:s4] =	ssyncadd.s32 $0xFFFF8000  }
0x17: {  	[tilespmem:s3], [sflag:$0x2] =	stream.linear.gather [hbm4b:s5+s3], $0x100, $0x38;
	[tilespmem:$0x8100] =	vst v63  }
0x18: {  	_ =	swait.ge [sflag:s4], $0x100  }
0x19: {  	[sflag:s4] =	ssyncset.done $0x0  }
0x1a: {  	[sflag:s4] =	ssyncadd.s32 $0xFFFFFF00  }
0x1b: {  	[tilespmem:s7], [sflag:$0x1] =	stream.indirect.gather [hbm4b:s2+s6], $0x80, s3, s6, $0xb8;
	[tilespmem:$0x8100] =	vst v63  }
0x1c: {  	_ =	swait.ge [sflag:s8], $0x4000  }
0x1d: {  	[sflag:s8] =	ssyncset.done $0x0  }
0x1e: {  	[sflag:s8] =	ssyncadd.s32 $0xFFFFC000  }
0x1f: {  	[tilespmem:s9], [sflag:$0x1] =	stream.indirect.gather [hbm4b:s2+s6], $0x80, s6, s6, $0xb8;
	[tilespmem:$0x8100] =	vst v63  }
0x20: {  	_ =	swait.ge [sflag:s8], $0x4000  }
.Ltmp1:
0x21: {  	[sflag:s8] =	ssyncset.done $0x0;
	(pc) =	sbr.rel @p0 .LBB2_1-.Ltmp1, $4  }
0x22: {  	[sflag:s8] =	ssyncadd.s32 $0xFFFFC000  }
0x23: {  	[hbm4b:s10+s3] =	stream.linear.scatter [tilespmem:s7], [sflag:$0x2], $0x8000, $0x38;
	[tilespmem:$0x8100] =	vst v63  }
0x24: {  	_ =	swait.ge [sflag:s4], $0x8000  }
0x25: {  	[sflag:s4] =	ssyncset.done $0x0  }
.LBB2_2:
0x26: {  	[sflag:s4] =	ssyncadd.s32 $0xFFFF8000  }
0x27: {  	_ =	sfence.sel $0x180000  }
0x28: {  	[bflag:$0x0] =	sbarrier.arrive $0xFFFF  }
0x29: {  	p0 =	sne.s32 s0, $0x0;
	_ =	strace $0x90000047  }
0x2a: {  	s0 =	sadd.s32 @!p0 $0x100000, s1;
	[bflag:$0x2] =	sbarrier.arrive $0xFFFF  }
0x2b: {  	[sflag:s0] =	ssyncadd.tile.s32 @!p0 $0x1;
	_ =	shalt  }
.Lfunc_end2:
_tile_overlayer_lowered:
.L_overlay_start_2:
0x2c: {  	(tag) =	ssettag $0x2  }
0x2d: {  	s0 =	rddreg [dreg:$0x0];
	s2 =	stileid.u32  }
0x2e: {  	s1 =	rddreg [dreg:$0x1];
	p0 =	sne.s32 s2, $0x0  }
0x2f: {  	s3 =	rddreg [dreg:$0x2];
	[bflag:$0x3] =	sbarrier.arrive $0xFFFF;
	s2 =	simm.s32 @!p0 $0x1C02  }
0x30: {  	[timem:s3], [sflag:s2] =	dma.local @!p0 [hbm:s0], s1  }
0x31: {  	s0 =	simm.s32 @!p0 $0x2  }
0x32: {  	_ =	swait.ge @!p0 [sflag:s0], s1  }
0x33: {  	s1 =	ssub.s32 @!p0 $0x0, s1;
	[sflag:s0] =	ssyncset.done @!p0 $0x0  }
0x34: {  	[sflag:s0] =	ssyncadd.s32 @!p0 s1  }
0x35: {  	[bflag:$0x3] =	sbarrier.arrive $0xFFFF  }
0x36: {  	_ =	shalt  }

</sc_bundles>
